<compile_context>
chip_gen: v7x
topology: tpu7x:2x2x1
jax: 0.10.2.dev20260603
libtpu: 0.0.44.dev20260713+nightly
codegen_flags: <defaults>
</compile_context>

<pallas_src>
import functools

import jax
import jax.numpy as jnp
from jax import lax
from jax.experimental import pallas as pl
from jax.experimental.pallas import tpu as pltpu
from jax.experimental.pallas import tpu_sc as plsc

EPS = 1e-5

NUM_CORES = 2
NUM_SUBCORES = 16
NUM_WORKERS = NUM_CORES * NUM_SUBCORES

GROUP = 128


def _tc_table_proj_ln(tT, w, gamma, beta, vocab, d_emb, d_model, blk):

    def body(t_ref, w_ref, g_ref, b_ref, out_ref):
        t = t_ref[...]
        proj = lax.dot_general(
            t, w_ref[...], (((0,), (1,)), ((), ())),
            preferred_element_type=jnp.float32)
        mu = jnp.mean(proj, axis=1, keepdims=True)
        diff = proj - mu
        var = jnp.mean(diff * diff, axis=1, keepdims=True)
        inv = lax.rsqrt(var + EPS)
        out_ref[...] = diff * inv * g_ref[...] + b_ref[...]

    grid = (pl.cdiv(vocab, blk),)
    return pl.pallas_call(
        body,
        grid=grid,
        in_specs=[
            pl.BlockSpec((d_emb, blk), lambda i: (0, i)),
            pl.BlockSpec((d_model, d_emb), lambda i: (0, 0)),
            pl.BlockSpec((1, d_model), lambda i: (0, 0)),
            pl.BlockSpec((1, d_model), lambda i: (0, 0)),
        ],
        out_specs=pl.BlockSpec((blk, d_model), lambda i: (i, 0)),
        out_shape=jax.ShapeDtypeStruct((vocab, d_model), jnp.float32),
    )(tT, w, gamma, beta)


def _sc_gather_rows(ids3d, rows_hbm_src, n_tok, d_model):
    n_per_w = n_tok // NUM_WORKERS
    n_super = n_per_w // GROUP

    mesh = plsc.VectorSubcoreMesh(core_axis_name="c", subcore_axis_name="s")

    @functools.partial(
        pl.kernel,
        mesh=mesh,
        out_type=jax.ShapeDtypeStruct((n_tok, d_model), jnp.float32),
        scratch_types=[
            pltpu.VMEM((n_super, GROUP), jnp.int32),
            pltpu.VMEM((4, GROUP, d_model), jnp.float32),
            pltpu.SemaphoreType.DMA((4,)),
            pltpu.SemaphoreType.DMA((4,)),
        ],
        compiler_params=pltpu.CompilerParams(use_tc_tiling_on_sc=False),
    )
    def gather_kernel(ids_hbm, table_hbm, out_hbm, idx_v, rows_v, gsem, ssem):
        wid = lax.axis_index("s") * NUM_CORES + lax.axis_index("c")
        row_base = wid * n_per_w

        pltpu.sync_copy(ids_hbm.at[wid], idx_v)

        def gather_copy(s):
            buf = lax.rem(s, 4)
            return pltpu.make_async_copy(
                table_hbm.at[idx_v.at[s]], rows_v.at[buf], gsem.at[buf])

        def store_copy(s):
            buf = lax.rem(s, 4)
            dst = out_hbm.at[pl.ds(row_base + s * GROUP, GROUP)]
            return pltpu.make_async_copy(rows_v.at[buf], dst, ssem.at[buf])

        gather_copy(0).start()
        gather_copy(1).start()
        gather_copy(2).start()

        def body(s, carry):
            gather_copy(s).wait()
            store_copy(s).start()

            @pl.when(s >= 1)
            def _():
                store_copy(s - 1).wait()

            @pl.when(s + 3 < n_super)
            def _():
                gather_copy(s + 3).start()

            return carry

        lax.fori_loop(0, n_super, body, 0)
        store_copy(n_super - 1).wait()

    return gather_kernel(ids3d, rows_hbm_src)


def kernel(token_ids, table, W, gamma, beta):
    b, h = token_ids.shape
    vocab, d_emb = table.shape
    d_model = W.shape[0]
    n_tok = b * h
    n_per_w = n_tok // NUM_WORKERS

    ids3d = token_ids.reshape(
        NUM_WORKERS, n_per_w // GROUP, GROUP).astype(jnp.int32)

    out_table = _tc_table_proj_ln(
        table.T, W, gamma.reshape(1, d_model), beta.reshape(1, d_model),
        vocab, d_emb, d_model, blk=16384)
    out = _sc_gather_rows(ids3d, out_table, n_tok, d_model)
    return out.reshape(b, h, d_model)

# --- scband reference (transcript-rebuilt; emitter-appended) ---
"""Pipeline reference for scband-factorized-embedding-56633438765498 (READ-ONLY COPY).

The authoritative reference and input builder live on the scoring server;
editing this copy changes nothing except your own understanding.
"""

import jax, jax.numpy as jnp
import numpy as np

VOCAB = 1000000
D_EMB = 64
D_MODEL = 128
BATCH = 4096
HIST = 200
EPS = 1e-5


def setup_inputs(seed: int = 0) -> dict:
    key = jax.random.key(seed)
    k1, k2, k3 = jax.random.split(key, 3)
    token_ids = jax.random.randint(k1, (BATCH, HIST), 0, VOCAB)
    table = jax.random.normal(k2, (VOCAB, D_EMB), dtype=jnp.float32)
    # padding_idx=0 -> row 0 is zeros
    table = table.at[0].set(0.0)
    W = jax.random.normal(k3, (D_MODEL, D_EMB), dtype=jnp.float32) * (1.0 / np.sqrt(D_EMB))
    gamma = jnp.ones((D_MODEL,), dtype=jnp.float32)
    beta = jnp.zeros((D_MODEL,), dtype=jnp.float32)
    return {"token_ids": token_ids, "table": table, "W": W, "gamma": gamma, "beta": beta}


def reference(token_ids, table, W, gamma, beta):
    # embed: gather rows from the factorized (bottleneck) table
    emb = jnp.take(table, token_ids, axis=0)          # [B, L, D_EMB]
    # project: Linear(d_embedding -> d_model, bias=False); torch weight is [d_model, d_emb]
    proj = emb @ W.T                                   # [B, L, D_MODEL]
    # LayerNorm over last dim (eps=1e-5, biased variance)
    mu = jnp.mean(proj, axis=-1, keepdims=True)
    var = jnp.var(proj, axis=-1, keepdims=True)
    normed = (proj - mu) / jnp.sqrt(var + EPS)
    return normed * gamma + beta

if __name__ == "__main__":
    import jax
    _d = setup_inputs()
    print(jax.jit(kernel)(*tuple(_d.values())))

</pallas_src>

<mosaic_0001>
#map = affine_map<(d0, d1) -> (0, 0, 0)>
#map1 = affine_map<(d0, d1) -> (0, 0)>
module attributes {stable_mosaic.version = 14 : i64} {
  func.func @gather_kernel(%arg0: i32, %arg1: i32, %arg2: memref<32x200x128xi32, #tpu.memory_space<hbm>>, %arg3: memref<1000000x128xf32, #tpu.memory_space<hbm>>, %arg4: memref<819200x128xf32, #tpu.memory_space<hbm>>, %arg5: memref<200x128xi32, #tpu.memory_space<vmem>>, %arg6: memref<4x128x128xf32, #tpu.memory_space<vmem>>, %arg7: memref<4x!tpu.dma_semaphore, #tpu.memory_space<semaphore_mem>>, %arg8: memref<4x!tpu.dma_semaphore, #tpu.memory_space<semaphore_mem>>) attributes {dimension_semantics = [#tpu.dimension_semantics<core_parallel>, #tpu.dimension_semantics<subcore_parallel>], iteration_bounds = array<i64: 2, 16>, scalar_prefetch = 0 : i64, scratch_operands = 4 : i64, tpu.core_type = #tpu.core_type<sc_vector_subcore>, window_params = [{transform_indices = #map}, {transform_indices = #map1}, {transform_indices = #map1}]} {
    %mul3A = arith.constant 2 : i32
    %mul3A_0 = arith.muli %arg1, %mul3A : i32
    %add3A = arith.addi %mul3A_0, %arg0 : i32
    %mul3A_1 = arith.constant 25600 : i32
    %mul3A_2 = arith.muli %add3A, %mul3A_1 : i32
    "tpu.region"() ({
      %run_scoped3A = tpu.sem_alloc : memref<!tpu.dma_semaphore, #tpu.memory_space<semaphore_mem>>
      %dma_start3A_72 = arith.constant 0 : i32
      %dma_start3A_73 = arith.constant 0 : i32
      %dma_start3A_74 = tpu.memref_slice %arg2[%add3A, %dma_start3A_72, %dma_start3A_73] : memref<32x200x128xi32, #tpu.memory_space<hbm>> -> memref<1x200x128xi32, #tpu.memory_space<hbm>>
      %dma_start3A_75 = tpu.memref_squeeze %dma_start3A_74 : memref<1x200x128xi32, #tpu.memory_space<hbm>> -> memref<200x128xi32, #tpu.memory_space<hbm>>
      %dma_start3A_76 = arith.constant 0 : i32
      %dma_start3A_77 = arith.constant 0 : i32
      %dma_start3A_78 = tpu.memref_slice %arg2[%add3A, %dma_start3A_76, %dma_start3A_77] : memref<32x200x128xi32, #tpu.memory_space<hbm>> -> memref<1x200x128xi32, #tpu.memory_space<hbm>>
      %dma_start3A_79 = tpu.memref_squeeze %dma_start3A_78 : memref<1x200x128xi32, #tpu.memory_space<hbm>> -> memref<200x128xi32, #tpu.memory_space<hbm>>
      tpu.enqueue_dma source(%dma_start3A_79 : memref<200x128xi32, #tpu.memory_space<hbm>>) target(%arg5 : memref<200x128xi32, #tpu.memory_space<vmem>>) target_semaphore(%run_scoped3A : memref<!tpu.dma_semaphore, #tpu.memory_space<semaphore_mem>>)
      %dma_wait3A_80 = arith.constant 0 : i32
      %dma_wait3A_81 = arith.constant 0 : i32
      %dma_wait3A_82 = tpu.memref_slice %arg2[%add3A, %dma_wait3A_80, %dma_wait3A_81] : memref<32x200x128xi32, #tpu.memory_space<hbm>> -> memref<1x200x128xi32, #tpu.memory_space<hbm>>
      %dma_wait3A_83 = tpu.memref_squeeze %dma_wait3A_82 : memref<1x200x128xi32, #tpu.memory_space<hbm>> -> memref<200x128xi32, #tpu.memory_space<hbm>>
      %dma_wait3A_84 = arith.constant 0 : i32
      %dma_wait3A_85 = arith.constant 0 : i32
      %dma_wait3A_86 = tpu.memref_slice %arg2[%add3A, %dma_wait3A_84, %dma_wait3A_85] : memref<32x200x128xi32, #tpu.memory_space<hbm>> -> memref<1x200x128xi32, #tpu.memory_space<hbm>>
      %dma_wait3A_87 = tpu.memref_squeeze %dma_wait3A_86 : memref<1x200x128xi32, #tpu.memory_space<hbm>> -> memref<200x128xi32, #tpu.memory_space<hbm>>
      tpu.wait_dma2 semaphore(%run_scoped3A : memref<!tpu.dma_semaphore, #tpu.memory_space<semaphore_mem>>) src(%dma_wait3A_87 : memref<200x128xi32, #tpu.memory_space<hbm>>) dst(%arg5 : memref<200x128xi32, #tpu.memory_space<vmem>>)
      tpu.yield
    }) : () -> ()
    %rem3A = arith.constant 0 : i32
    %rem3A_3 = arith.constant 4 : i32
    %rem3A_4 = arith.remsi %rem3A, %rem3A_3 : i32
    %dma_start3A = arith.constant 0 : i32
    %dma_start3A_5 = arith.constant 0 : i32
    %dma_start3A_6 = arith.constant 0 : i32
    %dma_start3A_7 = tpu.memref_slice %arg6[%rem3A_4, %dma_start3A_5, %dma_start3A_6] : memref<4x128x128xf32, #tpu.memory_space<vmem>> -> memref<1x128x128xf32, #tpu.memory_space<vmem>>
    %dma_start3A_8 = tpu.memref_squeeze %dma_start3A_7 : memref<1x128x128xf32, #tpu.memory_space<vmem>> -> memref<128x128xf32, #tpu.memory_space<vmem>>
    %dma_start3A_9 = arith.constant 0 : i32
    %dma_start3A_10 = tpu.memref_slice %arg5[%dma_start3A, %dma_start3A_9] : memref<200x128xi32, #tpu.memory_space<vmem>> -> memref<1x128xi32, #tpu.memory_space<vmem>>
    %dma_start3A_11 = tpu.memref_squeeze %dma_start3A_10 : memref<1x128xi32, #tpu.memory_space<vmem>> -> memref<128xi32, #tpu.memory_space<vmem>>
    %dma_start3A_12 = arith.constant 0 : i32
    %dma_start3A_13 = arith.constant 0 : i32
    %dma_start3A_14 = tpu.memref_slice %arg3[%dma_start3A_12, %dma_start3A_13] : memref<1000000x128xf32, #tpu.memory_space<hbm>> -> memref<1000000x128xf32, #tpu.memory_space<hbm>>
    %dma_start3A_15 = tpu.memref_slice %arg7[%rem3A_4] : memref<4x!tpu.dma_semaphore, #tpu.memory_space<semaphore_mem>> -> memref<1x!tpu.dma_semaphore, #tpu.memory_space<semaphore_mem>>
    %dma_start3A_16 = tpu.memref_squeeze %dma_start3A_15 : memref<1x!tpu.dma_semaphore, #tpu.memory_space<semaphore_mem>> -> memref<!tpu.dma_semaphore, #tpu.memory_space<semaphore_mem>>
    tpu.enqueue_indirect_dma source(%dma_start3A_14 : memref<1000000x128xf32, #tpu.memory_space<hbm>>) target(%dma_start3A_8 : memref<128x128xf32, #tpu.memory_space<vmem>>) offsets(%dma_start3A_11 : memref<128xi32, #tpu.memory_space<vmem>>) semaphore(%dma_start3A_16 : memref<!tpu.dma_semaphore, #tpu.memory_space<semaphore_mem>>)
    %rem3A_17 = arith.constant 1 : i32
    %rem3A_18 = arith.constant 4 : i32
    %rem3A_19 = arith.remsi %rem3A_17, %rem3A_18 : i32
    %dma_start3A_20 = arith.constant 1 : i32
    %dma_start3A_21 = arith.constant 0 : i32
    %dma_start3A_22 = arith.constant 0 : i32
    %dma_start3A_23 = tpu.memref_slice %arg6[%rem3A_19, %dma_start3A_21, %dma_start3A_22] : memref<4x128x128xf32, #tpu.memory_space<vmem>> -> memref<1x128x128xf32, #tpu.memory_space<vmem>>
    %dma_start3A_24 = tpu.memref_squeeze %dma_start3A_23 : memref<1x128x128xf32, #tpu.memory_space<vmem>> -> memref<128x128xf32, #tpu.memory_space<vmem>>
    %dma_start3A_25 = arith.constant 0 : i32
    %dma_start3A_26 = tpu.memref_slice %arg5[%dma_start3A_20, %dma_start3A_25] : memref<200x128xi32, #tpu.memory_space<vmem>> -> memref<1x128xi32, #tpu.memory_space<vmem>>
    %dma_start3A_27 = tpu.memref_squeeze %dma_start3A_26 : memref<1x128xi32, #tpu.memory_space<vmem>> -> memref<128xi32, #tpu.memory_space<vmem>>
    %dma_start3A_28 = arith.constant 0 : i32
    %dma_start3A_29 = arith.constant 0 : i32
    %dma_start3A_30 = tpu.memref_slice %arg3[%dma_start3A_28, %dma_start3A_29] : memref<1000000x128xf32, #tpu.memory_space<hbm>> -> memref<1000000x128xf32, #tpu.memory_space<hbm>>
    %dma_start3A_31 = tpu.memref_slice %arg7[%rem3A_19] : memref<4x!tpu.dma_semaphore, #tpu.memory_space<semaphore_mem>> -> memref<1x!tpu.dma_semaphore, #tpu.memory_space<semaphore_mem>>
    %dma_start3A_32 = tpu.memref_squeeze %dma_start3A_31 : memref<1x!tpu.dma_semaphore, #tpu.memory_space<semaphore_mem>> -> memref<!tpu.dma_semaphore, #tpu.memory_space<semaphore_mem>>
    tpu.enqueue_indirect_dma source(%dma_start3A_30 : memref<1000000x128xf32, #tpu.memory_space<hbm>>) target(%dma_start3A_24 : memref<128x128xf32, #tpu.memory_space<vmem>>) offsets(%dma_start3A_27 : memref<128xi32, #tpu.memory_space<vmem>>) semaphore(%dma_start3A_32 : memref<!tpu.dma_semaphore, #tpu.memory_space<semaphore_mem>>)
    %rem3A_33 = arith.constant 2 : i32
    %rem3A_34 = arith.constant 4 : i32
    %rem3A_35 = arith.remsi %rem3A_33, %rem3A_34 : i32
    %dma_start3A_36 = arith.constant 2 : i32
    %dma_start3A_37 = arith.constant 0 : i32
    %dma_start3A_38 = arith.constant 0 : i32
    %dma_start3A_39 = tpu.memref_slice %arg6[%rem3A_35, %dma_start3A_37, %dma_start3A_38] : memref<4x128x128xf32, #tpu.memory_space<vmem>> -> memref<1x128x128xf32, #tpu.memory_space<vmem>>
    %dma_start3A_40 = tpu.memref_squeeze %dma_start3A_39 : memref<1x128x128xf32, #tpu.memory_space<vmem>> -> memref<128x128xf32, #tpu.memory_space<vmem>>
    %dma_start3A_41 = arith.constant 0 : i32
    %dma_start3A_42 = tpu.memref_slice %arg5[%dma_start3A_36, %dma_start3A_41] : memref<200x128xi32, #tpu.memory_space<vmem>> -> memref<1x128xi32, #tpu.memory_space<vmem>>
    %dma_start3A_43 = tpu.memref_squeeze %dma_start3A_42 : memref<1x128xi32, #tpu.memory_space<vmem>> -> memref<128xi32, #tpu.memory_space<vmem>>
    %dma_start3A_44 = arith.constant 0 : i32
    %dma_start3A_45 = arith.constant 0 : i32
    %dma_start3A_46 = tpu.memref_slice %arg3[%dma_start3A_44, %dma_start3A_45] : memref<1000000x128xf32, #tpu.memory_space<hbm>> -> memref<1000000x128xf32, #tpu.memory_space<hbm>>
    %dma_start3A_47 = tpu.memref_slice %arg7[%rem3A_35] : memref<4x!tpu.dma_semaphore, #tpu.memory_space<semaphore_mem>> -> memref<1x!tpu.dma_semaphore, #tpu.memory_space<semaphore_mem>>
    %dma_start3A_48 = tpu.memref_squeeze %dma_start3A_47 : memref<1x!tpu.dma_semaphore, #tpu.memory_space<semaphore_mem>> -> memref<!tpu.dma_semaphore, #tpu.memory_space<semaphore_mem>>
    tpu.enqueue_indirect_dma source(%dma_start3A_46 : memref<1000000x128xf32, #tpu.memory_space<hbm>>) target(%dma_start3A_40 : memref<128x128xf32, #tpu.memory_space<vmem>>) offsets(%dma_start3A_43 : memref<128xi32, #tpu.memory_space<vmem>>) semaphore(%dma_start3A_48 : memref<!tpu.dma_semaphore, #tpu.memory_space<semaphore_mem>>)
    %scan3A = arith.constant 0 : i32
    %scan3A_49 = arith.constant 0 : i32
    %scan3A_50 = arith.constant 200 : i32
    %scan3A_51 = arith.addi %scan3A_49, %scan3A_50 : i32
    %scan3A_52 = arith.constant 1 : i32
    scf.for %scan3A_72 = %scan3A_49 to %scan3A_51 step %scan3A_52  : i32 {
      %rem3A_73 = arith.constant 4 : i32
      %rem3A_74 = arith.remsi %scan3A_72, %rem3A_73 : i32
      %dma_wait3A_75 = arith.constant 0 : i32
      %dma_wait3A_76 = arith.constant 0 : i32
      %dma_wait3A_77 = tpu.memref_slice %arg6[%rem3A_74, %dma_wait3A_75, %dma_wait3A_76] : memref<4x128x128xf32, #tpu.memory_space<vmem>> -> memref<1x128x128xf32, #tpu.memory_space<vmem>>
      %dma_wait3A_78 = tpu.memref_squeeze %dma_wait3A_77 : memref<1x128x128xf32, #tpu.memory_space<vmem>> -> memref<128x128xf32, #tpu.memory_space<vmem>>
      %dma_wait3A_79 = arith.constant 0 : i32
      %dma_wait3A_80 = tpu.memref_slice %arg5[%scan3A_72, %dma_wait3A_79] : memref<200x128xi32, #tpu.memory_space<vmem>> -> memref<1x128xi32, #tpu.memory_space<vmem>>
      %dma_wait3A_81 = tpu.memref_squeeze %dma_wait3A_80 : memref<1x128xi32, #tpu.memory_space<vmem>> -> memref<128xi32, #tpu.memory_space<vmem>>
      %dma_wait3A_82 = arith.constant 0 : i32
      %dma_wait3A_83 = arith.constant 0 : i32
      %dma_wait3A_84 = tpu.memref_slice %arg3[%dma_wait3A_82, %dma_wait3A_83] : memref<1000000x128xf32, #tpu.memory_space<hbm>> -> memref<1000000x128xf32, #tpu.memory_space<hbm>>
      %dma_wait3A_85 = tpu.memref_slice %arg7[%rem3A_74] : memref<4x!tpu.dma_semaphore, #tpu.memory_space<semaphore_mem>> -> memref<1x!tpu.dma_semaphore, #tpu.memory_space<semaphore_mem>>
      %dma_wait3A_86 = tpu.memref_squeeze %dma_wait3A_85 : memref<1x!tpu.dma_semaphore, #tpu.memory_space<semaphore_mem>> -> memref<!tpu.dma_semaphore, #tpu.memory_space<semaphore_mem>>
      tpu.wait_indirect_dma semaphore(%dma_wait3A_86 : memref<!tpu.dma_semaphore, #tpu.memory_space<semaphore_mem>>) src(%dma_wait3A_84 : memref<1000000x128xf32, #tpu.memory_space<hbm>>) dst(%dma_wait3A_78 : memref<128x128xf32, #tpu.memory_space<vmem>>)
      %rem3A_87 = arith.constant 4 : i32
      %rem3A_88 = arith.remsi %scan3A_72, %rem3A_87 : i32
      %mul3A_89 = arith.constant 128 : i32
      %mul3A_90 = arith.muli %scan3A_72, %mul3A_89 : i32
      %add3A_91 = arith.addi %mul3A_2, %mul3A_90 : i32
      %dma_start3A_92 = arith.constant 0 : i32
      %dma_start3A_93 = arith.constant 0 : i32
      %dma_start3A_94 = tpu.memref_slice %arg6[%rem3A_88, %dma_start3A_92, %dma_start3A_93] : memref<4x128x128xf32, #tpu.memory_space<vmem>> -> memref<1x128x128xf32, #tpu.memory_space<vmem>>
      %dma_start3A_95 = tpu.memref_squeeze %dma_start3A_94 : memref<1x128x128xf32, #tpu.memory_space<vmem>> -> memref<128x128xf32, #tpu.memory_space<vmem>>
      %dma_start3A_96 = arith.constant 0 : i32
      %dma_start3A_97 = tpu.memref_slice %arg4[%add3A_91, %dma_start3A_96] : memref<819200x128xf32, #tpu.memory_space<hbm>> -> memref<128x128xf32, #tpu.memory_space<hbm>>
      %dma_start3A_98 = tpu.memref_slice %arg8[%rem3A_88] : memref<4x!tpu.dma_semaphore, #tpu.memory_space<semaphore_mem>> -> memref<1x!tpu.dma_semaphore, #tpu.memory_space<semaphore_mem>>
      %dma_start3A_99 = tpu.memref_squeeze %dma_start3A_98 : memref<1x!tpu.dma_semaphore, #tpu.memory_space<semaphore_mem>> -> memref<!tpu.dma_semaphore, #tpu.memory_space<semaphore_mem>>
      %dma_start3A_100 = arith.constant 0 : i32
      %dma_start3A_101 = tpu.memref_slice %arg4[%add3A_91, %dma_start3A_100] : memref<819200x128xf32, #tpu.memory_space<hbm>> -> memref<128x128xf32, #tpu.memory_space<hbm>>
      %dma_start3A_102 = arith.constant 0 : i32
      %dma_start3A_103 = arith.constant 0 : i32
      %dma_start3A_104 = tpu.memref_slice %arg6[%rem3A_88, %dma_start3A_102, %dma_start3A_103] : memref<4x128x128xf32, #tpu.memory_space<vmem>> -> memref<1x128x128xf32, #tpu.memory_space<vmem>>
      %dma_start3A_105 = tpu.memref_squeeze %dma_start3A_104 : memref<1x128x128xf32, #tpu.memory_space<vmem>> -> memref<128x128xf32, #tpu.memory_space<vmem>>
      tpu.enqueue_dma source(%dma_start3A_105 : memref<128x128xf32, #tpu.memory_space<vmem>>) target(%dma_start3A_101 : memref<128x128xf32, #tpu.memory_space<hbm>>) target_semaphore(%dma_start3A_99 : memref<!tpu.dma_semaphore, #tpu.memory_space<semaphore_mem>>)
      %ge3A = arith.constant 1 : i32
      %ge3A_106 = arith.cmpi sge, %scan3A_72, %ge3A : i32
      %convert_element_type3A = arith.extui %ge3A_106 : i1 to i32
      %cond3A = arith.constant 0 : i32
      %cond3A_107 = arith.cmpi ne, %convert_element_type3A, %cond3A : i32
      scf.if %cond3A_107 {
        %sub3A = arith.constant 1 : i32
        %sub3A_114 = arith.subi %scan3A_72, %sub3A : i32
        %rem3A_115 = arith.constant 4 : i32
        %rem3A_116 = arith.remsi %sub3A_114, %rem3A_115 : i32
        %mul3A_117 = arith.constant 128 : i32
        %mul3A_118 = arith.muli %sub3A_114, %mul3A_117 : i32
        %add3A_119 = arith.addi %mul3A_2, %mul3A_118 : i32
        %dma_wait3A_120 = arith.constant 0 : i32
        %dma_wait3A_121 = arith.constant 0 : i32
        %dma_wait3A_122 = tpu.memref_slice %arg6[%rem3A_116, %dma_wait3A_120, %dma_wait3A_121] : memref<4x128x128xf32, #tpu.memory_space<vmem>> -> memref<1x128x128xf32, #tpu.memory_space<vmem>>
        %dma_wait3A_123 = tpu.memref_squeeze %dma_wait3A_122 : memref<1x128x128xf32, #tpu.memory_space<vmem>> -> memref<128x128xf32, #tpu.memory_space<vmem>>
        %dma_wait3A_124 = arith.constant 0 : i32
        %dma_wait3A_125 = tpu.memref_slice %arg4[%add3A_119, %dma_wait3A_124] : memref<819200x128xf32, #tpu.memory_space<hbm>> -> memref<128x128xf32, #tpu.memory_space<hbm>>
        %dma_wait3A_126 = tpu.memref_slice %arg8[%rem3A_116] : memref<4x!tpu.dma_semaphore, #tpu.memory_space<semaphore_mem>> -> memref<1x!tpu.dma_semaphore, #tpu.memory_space<semaphore_mem>>
        %dma_wait3A_127 = tpu.memref_squeeze %dma_wait3A_126 : memref<1x!tpu.dma_semaphore, #tpu.memory_space<semaphore_mem>> -> memref<!tpu.dma_semaphore, #tpu.memory_space<semaphore_mem>>
        %dma_wait3A_128 = arith.constant 0 : i32
        %dma_wait3A_129 = tpu.memref_slice %arg4[%add3A_119, %dma_wait3A_128] : memref<819200x128xf32, #tpu.memory_space<hbm>> -> memref<128x128xf32, #tpu.memory_space<hbm>>
        %dma_wait3A_130 = arith.constant 0 : i32
        %dma_wait3A_131 = arith.constant 0 : i32
        %dma_wait3A_132 = tpu.memref_slice %arg6[%rem3A_116, %dma_wait3A_130, %dma_wait3A_131] : memref<4x128x128xf32, #tpu.memory_space<vmem>> -> memref<1x128x128xf32, #tpu.memory_space<vmem>>
        %dma_wait3A_133 = tpu.memref_squeeze %dma_wait3A_132 : memref<1x128x128xf32, #tpu.memory_space<vmem>> -> memref<128x128xf32, #tpu.memory_space<vmem>>
        tpu.wait_dma2 semaphore(%dma_wait3A_127 : memref<!tpu.dma_semaphore, #tpu.memory_space<semaphore_mem>>) src(%dma_wait3A_133 : memref<128x128xf32, #tpu.memory_space<vmem>>) dst(%dma_wait3A_129 : memref<128x128xf32, #tpu.memory_space<hbm>>)
      } else {
      }
      %add3A_108 = arith.constant 3 : i32
      %add3A_109 = arith.addi %scan3A_72, %add3A_108 : i32
      %lt3A = arith.constant 200 : i32
      %lt3A_110 = arith.cmpi slt, %add3A_109, %lt3A : i32
      %convert_element_type3A_111 = arith.extui %lt3A_110 : i1 to i32
      %cond3A_112 = arith.constant 0 : i32
      %cond3A_113 = arith.cmpi ne, %convert_element_type3A_111, %cond3A_112 : i32
      scf.if %cond3A_113 {
        %add3A_114 = arith.constant 3 : i32
        %add3A_115 = arith.addi %scan3A_72, %add3A_114 : i32
        %rem3A_116 = arith.constant 4 : i32
        %rem3A_117 = arith.remsi %add3A_115, %rem3A_116 : i32
        %dma_start3A_118 = arith.constant 0 : i32
        %dma_start3A_119 = arith.constant 0 : i32
        %dma_start3A_120 = tpu.memref_slice %arg6[%rem3A_117, %dma_start3A_118, %dma_start3A_119] : memref<4x128x128xf32, #tpu.memory_space<vmem>> -> memref<1x128x128xf32, #tpu.memory_space<vmem>>
        %dma_start3A_121 = tpu.memref_squeeze %dma_start3A_120 : memref<1x128x128xf32, #tpu.memory_space<vmem>> -> memref<128x128xf32, #tpu.memory_space<vmem>>
        %dma_start3A_122 = arith.constant 0 : i32
        %dma_start3A_123 = tpu.memref_slice %arg5[%add3A_115, %dma_start3A_122] : memref<200x128xi32, #tpu.memory_space<vmem>> -> memref<1x128xi32, #tpu.memory_space<vmem>>
        %dma_start3A_124 = tpu.memref_squeeze %dma_start3A_123 : memref<1x128xi32, #tpu.memory_space<vmem>> -> memref<128xi32, #tpu.memory_space<vmem>>
        %dma_start3A_125 = arith.constant 0 : i32
        %dma_start3A_126 = arith.constant 0 : i32
        %dma_start3A_127 = tpu.memref_slice %arg3[%dma_start3A_125, %dma_start3A_126] : memref<1000000x128xf32, #tpu.memory_space<hbm>> -> memref<1000000x128xf32, #tpu.memory_space<hbm>>
        %dma_start3A_128 = tpu.memref_slice %arg7[%rem3A_117] : memref<4x!tpu.dma_semaphore, #tpu.memory_space<semaphore_mem>> -> memref<1x!tpu.dma_semaphore, #tpu.memory_space<semaphore_mem>>
        %dma_start3A_129 = tpu.memref_squeeze %dma_start3A_128 : memref<1x!tpu.dma_semaphore, #tpu.memory_space<semaphore_mem>> -> memref<!tpu.dma_semaphore, #tpu.memory_space<semaphore_mem>>
        tpu.enqueue_indirect_dma source(%dma_start3A_127 : memref<1000000x128xf32, #tpu.memory_space<hbm>>) target(%dma_start3A_121 : memref<128x128xf32, #tpu.memory_space<vmem>>) offsets(%dma_start3A_124 : memref<128xi32, #tpu.memory_space<vmem>>) semaphore(%dma_start3A_129 : memref<!tpu.dma_semaphore, #tpu.memory_space<semaphore_mem>>)
      } else {
      }
    }
    %scan3A_53 = arith.constant 200 : i32
    %rem3A_54 = arith.constant 199 : i32
    %rem3A_55 = arith.constant 4 : i32
    %rem3A_56 = arith.remsi %rem3A_54, %rem3A_55 : i32
    %add3A_57 = arith.constant 25472 : i32
    %add3A_58 = arith.addi %mul3A_2, %add3A_57 : i32
    %dma_wait3A = arith.constant 0 : i32
    %dma_wait3A_59 = arith.constant 0 : i32
    %dma_wait3A_60 = tpu.memref_slice %arg6[%rem3A_56, %dma_wait3A, %dma_wait3A_59] : memref<4x128x128xf32, #tpu.memory_space<vmem>> -> memref<1x128x128xf32, #tpu.memory_space<vmem>>
    %dma_wait3A_61 = tpu.memref_squeeze %dma_wait3A_60 : memref<1x128x128xf32, #tpu.memory_space<vmem>> -> memref<128x128xf32, #tpu.memory_space<vmem>>
    %dma_wait3A_62 = arith.constant 0 : i32
    %dma_wait3A_63 = tpu.memref_slice %arg4[%add3A_58, %dma_wait3A_62] : memref<819200x128xf32, #tpu.memory_space<hbm>> -> memref<128x128xf32, #tpu.memory_space<hbm>>
    %dma_wait3A_64 = tpu.memref_slice %arg8[%rem3A_56] : memref<4x!tpu.dma_semaphore, #tpu.memory_space<semaphore_mem>> -> memref<1x!tpu.dma_semaphore, #tpu.memory_space<semaphore_mem>>
    %dma_wait3A_65 = tpu.memref_squeeze %dma_wait3A_64 : memref<1x!tpu.dma_semaphore, #tpu.memory_space<semaphore_mem>> -> memref<!tpu.dma_semaphore, #tpu.memory_space<semaphore_mem>>
    %dma_wait3A_66 = arith.constant 0 : i32
    %dma_wait3A_67 = tpu.memref_slice %arg4[%add3A_58, %dma_wait3A_66] : memref<819200x128xf32, #tpu.memory_space<hbm>> -> memref<128x128xf32, #tpu.memory_space<hbm>>
    %dma_wait3A_68 = arith.constant 0 : i32
    %dma_wait3A_69 = arith.constant 0 : i32
    %dma_wait3A_70 = tpu.memref_slice %arg6[%rem3A_56, %dma_wait3A_68, %dma_wait3A_69] : memref<4x128x128xf32, #tpu.memory_space<vmem>> -> memref<1x128x128xf32, #tpu.memory_space<vmem>>
    %dma_wait3A_71 = tpu.memref_squeeze %dma_wait3A_70 : memref<1x128x128xf32, #tpu.memory_space<vmem>> -> memref<128x128xf32, #tpu.memory_space<vmem>>
    tpu.wait_dma2 semaphore(%dma_wait3A_65 : memref<!tpu.dma_semaphore, #tpu.memory_space<semaphore_mem>>) src(%dma_wait3A_71 : memref<128x128xf32, #tpu.memory_space<vmem>>) dst(%dma_wait3A_67 : memref<128x128xf32, #tpu.memory_space<hbm>>)
    return
  }
}

module attributes {stable_mosaic.version = 14 : i64} {
  func.func @body(%arg0: i32, %arg1: memref<64x16384xf32, #tpu.memory_space<vmem>>, %arg2: memref<128x64xf32, #tpu.memory_space<vmem>>, %arg3: memref<1x128xf32, #tpu.memory_space<vmem>>, %arg4: memref<1x128xf32, #tpu.memory_space<vmem>>, %arg5: memref<16384x128xf32, #tpu.memory_space<vmem>>) attributes {dimension_semantics = [#tpu.dimension_semantics<arbitrary>], iteration_bounds = array<i64: 62>, scalar_prefetch = 0 : i64, scratch_operands = 0 : i64, tpu.core_type = #tpu.core_type<tc>, window_params = [{transform_indices = @transform_0, window_bounds = array<i64: 64, 16384>}, {pipeline_mode = #tpu.pipeline_mode<synchronous>, transform_indices = @transform_1, window_bounds = array<i64: 128, 64>}, {pipeline_mode = #tpu.pipeline_mode<synchronous>, transform_indices = @transform_2, window_bounds = array<i64: 1, 128>}, {pipeline_mode = #tpu.pipeline_mode<synchronous>, transform_indices = @transform_3, window_bounds = array<i64: 1, 128>}, {transform_indices = @transform_4, window_bounds = array<i64: 16384, 128>}]} {
    %get3A = arith.constant 0 : index
    %get3A_0 = arith.constant 0 : index
    %get3A_1 = vector.load %arg1[%get3A, %get3A_0] : memref<64x16384xf32, #tpu.memory_space<vmem>>, vector<64x16384xf32>
    %get3A_2 = arith.constant 0 : index
    %get3A_3 = arith.constant 0 : index
    %get3A_4 = vector.load %arg2[%get3A_2, %get3A_3] : memref<128x64xf32, #tpu.memory_space<vmem>>, vector<128x64xf32>
    %dot_general3A = arith.constant dense<0.000000e+00> : vector<16384x128xf32>
    %dot_general3A_5 = tpu.matmul %get3A_1, %get3A_4, %dot_general3A {dimension_numbers = #tpu.dot_dimension_numbers<[0], [1], [1], [0], [0, 1, 1, 0], [], []>, transpose_lhs_hint = false} : vector<64x16384xf32>, vector<128x64xf32>, vector<16384x128xf32> -> vector<16384x128xf32>
    %reduce_sum3A = arith.constant dense<0.000000e+00> : vector<16384xf32>
    %reduce_sum3A_6 = vector.multi_reduction <add>, %dot_general3A_5, %reduce_sum3A [1] : vector<16384x128xf32> to vector<16384xf32>
    %broadcast_in_dim3A = vector.shape_cast %reduce_sum3A_6 : vector<16384xf32> to vector<16384x1xf32>
    %div3A = arith.constant 1.280000e+02 : f32
    %div3A_7 = vector.broadcast %div3A : f32 to vector<16384x1xf32>
    %div3A_8 = arith.divf %broadcast_in_dim3A, %div3A_7 : vector<16384x1xf32>
    %sub3A = vector.broadcast %div3A_8 : vector<16384x1xf32> to vector<16384x128xf32>
    %sub3A_9 = arith.subf %dot_general3A_5, %sub3A : vector<16384x128xf32>
    %mul3A = arith.mulf %sub3A_9, %sub3A_9 : vector<16384x128xf32>
    %reduce_sum3A_10 = arith.constant dense<0.000000e+00> : vector<16384xf32>
    %reduce_sum3A_11 = vector.multi_reduction <add>, %mul3A, %reduce_sum3A_10 [1] : vector<16384x128xf32> to vector<16384xf32>
    %broadcast_in_dim3A_12 = vector.shape_cast %reduce_sum3A_11 : vector<16384xf32> to vector<16384x1xf32>
    %div3A_13 = arith.constant 1.280000e+02 : f32
    %div3A_14 = vector.broadcast %div3A_13 : f32 to vector<16384x1xf32>
    %div3A_15 = arith.divf %broadcast_in_dim3A_12, %div3A_14 : vector<16384x1xf32>
    %add3A = arith.constant 9.99999974E-6 : f32
    %add3A_16 = vector.broadcast %add3A : f32 to vector<16384x1xf32>
    %add3A_17 = arith.addf %div3A_15, %add3A_16 : vector<16384x1xf32>
    %rsqrt3A = math.rsqrt %add3A_17 : vector<16384x1xf32>
    %mul3A_18 = vector.broadcast %rsqrt3A : vector<16384x1xf32> to vector<16384x128xf32>
    %mul3A_19 = arith.mulf %sub3A_9, %mul3A_18 : vector<16384x128xf32>
    %get3A_20 = arith.constant 0 : index
    %get3A_21 = arith.constant 0 : index
    %get3A_22 = vector.load %arg3[%get3A_20, %get3A_21] : memref<1x128xf32, #tpu.memory_space<vmem>>, vector<1x128xf32>
    %mul3A_23 = vector.broadcast %get3A_22 : vector<1x128xf32> to vector<16384x128xf32>
    %mul3A_24 = arith.mulf %mul3A_19, %mul3A_23 : vector<16384x128xf32>
    %get3A_25 = arith.constant 0 : index
    %get3A_26 = arith.constant 0 : index
    %get3A_27 = vector.load %arg4[%get3A_25, %get3A_26] : memref<1x128xf32, #tpu.memory_space<vmem>>, vector<1x128xf32>
    %add3A_28 = vector.broadcast %get3A_27 : vector<1x128xf32> to vector<16384x128xf32>
    %add3A_29 = arith.addf %mul3A_24, %add3A_28 : vector<16384x128xf32>
    %swap3A = arith.constant 0 : index
    %swap3A_30 = arith.constant 0 : index
    %swap3A_31 = vector.load %arg5[%swap3A, %swap3A_30] : memref<16384x128xf32, #tpu.memory_space<vmem>>, vector<16384x128xf32>
    tpu.vector_store %arg5[%swap3A, %swap3A_30], %add3A_29 {strides = array<i32>} : memref<16384x128xf32, #tpu.memory_space<vmem>>, vector<16384x128xf32>,
    return
  }
  func.func @transform_0(%arg0: i32) -> (i32, i32) {
    %c0_i32 = arith.constant 0 : i32
    %c0_i32_0 = arith.constant 0 : i32
    return %c0_i32, %arg0 : i32, i32
  }
  func.func @transform_1(%arg0: i32) -> (i32, i32) {
    %c0_i32 = arith.constant 0 : i32
    %c0_i32_0 = arith.constant 0 : i32
    %c0_i32_1 = arith.constant 0 : i32
    return %c0_i32, %c0_i32_0 : i32, i32
  }
  func.func @transform_2(%arg0: i32) -> (i32, i32) {
    %c0_i32 = arith.constant 0 : i32
    %c0_i32_0 = arith.constant 0 : i32
    %c0_i32_1 = arith.constant 0 : i32
    return %c0_i32, %c0_i32_0 : i32, i32
  }
  func.func @transform_3(%arg0: i32) -> (i32, i32) {
    %c0_i32 = arith.constant 0 : i32
    %c0_i32_0 = arith.constant 0 : i32
    %c0_i32_1 = arith.constant 0 : i32
    return %c0_i32, %c0_i32_0 : i32, i32
  }
  func.func @transform_4(%arg0: i32) -> (i32, i32) {
    %c0_i32 = arith.constant 0 : i32
    %c0_i32_0 = arith.constant 0 : i32
    return %arg0, %c0_i32 : i32, i32
  }
}

</mosaic_0001>

<sc_bundles>
// kernel: kernel.4.cloned.1.call-start
scs
__scs_entry_jumppad:
0x0: {  	(pc) =	sbr.rel $0x88, $3  }
0x1: {  	(tag) =	ssettag $0x0;
	lr =	simm.s32 $0x1  }
0x2: {  	[smem:$0x3F9C] =	sst lr;
	_ =	strace $0xD0000000  }
0x3: {  	_ = 	snop  }
0x4: {  	_ = 	snop  }
0x5: {  	_ = 	snop  }
0x6: {  	_ = 	snop  }
0x7: {  	_ = 	snop  }
__scs_overlays_trampoline_lowered:
0x8: {  	[smem:$0x3FAB] =	sst s0  }
0x9: {  	[smem:$0x3FAC] =	sst s1  }
0xa: {  	[smem:$0x3FAD] =	sst s2  }
0xb: {  	[smem:$0x3FAE] =	sst s3  }
0xc: {  	[smem:$0x3FAF] =	sst s4  }
0xd: {  	[smem:$0x3FB0] =	sst s5  }
0xe: {  	[smem:$0x3FB1] =	sst s6  }
0xf: {  	[smem:$0x3FB2] =	sst s7  }
0x10: {  	[smem:$0x3FB3] =	sst s8  }
0x11: {  	[smem:$0x3FB4] =	sst s9;
	s0 =	simm.s32 @!p0 $0x0  }
0x12: {  	s1 =	sld [smem:$0x3F9A];
	s0 =	simm.s32 @p0 $0x1  }
0x13: {  	[smem:$0x3FB5] =	sst s0;
	s0 =	simm.s32 @!p1 $0x0  }
0x14: {  	s2 =	sld [smem:$0x3F99];
	s0 =	simm.s32 @p1 $0x1  }
0x15: {  	[smem:$0x3FB6] =	sst s0;
	s0 =	simm.s32 @!p2 $0x0  }
0x16: {  	s3 =	sld [smem:$0x3FDB];
	s0 =	simm.s32 @p2 $0x1  }
0x17: {  	s4 =	simm.s32 $0x1BF5;
	[smem:$0x3FB8] =	sst s0  }
0x18: {  	s0 =	sld [smem:$0x3F9B];
	_ =	swait.ge [sflag:s4], $0x0  }
0x19: {  	s7 =	sld [smem:$0x3F9C]  }
0x1a: {  	s8 =	sadd.s32 $0xFFFFE003, lr  }
0x1b: {  	s9 =	sadd.s32 $0xFFFFFEF7, lr;
	s5 =	simm.s32 $0xFFFFFFFF;
	p2 =	slt.u32 s8, $0xFFFFF086  }
0x1c: {  	p1 =	slt.u32 s9, $0xF7A;
	s5 =	simm.s32 @!p2 $0x0  }
0x1d: {  	s5 =	simm.s32 @p1 $0x1;
	p0 =	seq.s32 s7, s2  }
0x1e: {  	s7 =	smul.u32 @!p0 $0xF7A, s2;
	p2 =	seq.s32 @!p0 s5, $0x0  }
0x1f: {  	s9 =	smul.u32 $0xF7A, s1;
	s8 =	simm.s32 @!p0 $0x1BF5;
	p2 =	por !p2, p0  }
0x20: {  	[sflag:s8] =	ssyncset.s32 @!p0 $0xFFFFF086;
	s6 =	sadd.s32 @!p0 s3, s7;
	s7 =	simm.s32 @!p0 $0x108  }
0x21: {  	s3 =	sadd.s32 s3, s9;
	s6 =	sadd.s32 @!p0 $0x88, s6;
	s7 =	simm.s32 @p2 $0x1082  }
0x22: {  	[simem:s7], [sflag:s8] =	dma.local @!p0 [hbm:s6], $0xF7A  }
0x23: {  	s9 =	sor.u32 $0xD0000000, s2;
	s6 =	simm.s32 $0x108;
	_ =	swait.ge @!p0 [sflag:s8], $0x0  }
0x24: {  	s3 =	sadd.s32 $0x88, s3;
	s6 =	simm.s32 @!p1 $0x1082;
	[sflag:s4] =	ssyncset.s32 $0xFFFFF086  }
0x25: {  	[simem:s6], [sflag:s4] =	dma.local [hbm:s3], $0xF7A  }
0x26: {  	[smem:$0x3F9C] =	sst s1;
	(tag) =	ssettag s2;
	_ =	strace s9  }
0x27: {  	s1 =	sld [smem:$0x3FAC]  }
0x28: {  	s2 =	sld [smem:$0x3FAD]  }
0x29: {  	s4 =	sld [smem:$0x3FAF]  }
0x2a: {  	p0 =	seq.s32 s5, $0x0;
	s5 =	sld [smem:$0x3FB0]  }
0x2b: {  	s6 =	sld [smem:$0x3FB1]  }
0x2c: {  	s7 =	sld [smem:$0x3FB2]  }
0x2d: {  	s3 =	simm.s32 $0x108;
	s8 =	sld [smem:$0x3FB3]  }
0x2e: {  	s3 =	simm.s32 @!p0 $0x1082;
	s9 =	sld [smem:$0x3FB4]  }
0x2f: {  	lr =	sadd.s32 s0, s3;
	s0 =	sld [smem:$0x3FAB]  }
0x30: {  	s3 =	sld [smem:$0x3FAE]  }
0x31: {  	[smem:$0x3FB7] =	sst s10  }
0x32: {  	s10 =	sld [smem:$0x3FB5];
	_ =	sdelay $0x3  }
0x33: {  	p0 =	seq.s32 s10, $0x1;
	s10 =	sld [smem:$0x3FB7];
	_ =	sdelay $0x3  }
0x34: {  	[smem:$0x3FB7] =	sst s10  }
0x35: {  	s10 =	sld [smem:$0x3FB6];
	_ =	sdelay $0x3  }
0x36: {  	p1 =	seq.s32 s10, $0x1;
	s10 =	sld [smem:$0x3FB7];
	_ =	sdelay $0x3  }
0x37: {  	[smem:$0x3FB7] =	sst s10  }
0x38: {  	s10 =	sld [smem:$0x3FB8]  }
0x39: {  	_ = 	snop;
	(pc) =	sbr.ind lr, $3  }
0x3a: {  	_ = 	snop  }
0x3b: {  	_ = 	snop  }
0x3c: {  	p2 =	seq.s32 s10, $0x1;
	s10 =	sld [smem:$0x3FB7]  }
0x3d: {  	_ =	shalt  }
0x3e: {  	_ =	shalt  }
0x3f: {  	_ =	shalt  }
0x40: {  	_ =	shalt  }
0x41: {  	_ =	shalt  }
0x42: {  	_ =	shalt  }
0x43: {  	_ =	shalt  }
0x44: {  	_ =	shalt  }
0x45: {  	_ =	shalt  }
0x46: {  	_ =	shalt  }
0x47: {  	_ =	shalt  }
0x48: {  	_ =	shalt  }
0x49: {  	_ =	shalt  }
0x4a: {  	_ =	shalt  }
0x4b: {  	_ =	shalt  }
0x4c: {  	_ =	shalt  }
0x4d: {  	_ =	shalt  }
0x4e: {  	_ =	shalt  }
0x4f: {  	_ =	shalt  }
0x50: {  	_ =	shalt  }
0x51: {  	_ =	shalt  }
0x52: {  	_ =	shalt  }
0x53: {  	_ =	shalt  }
0x54: {  	_ =	shalt  }
0x55: {  	_ =	shalt  }
0x56: {  	_ =	shalt  }
0x57: {  	_ =	shalt  }
0x58: {  	_ =	shalt  }
0x59: {  	_ =	shalt  }
0x5a: {  	_ =	shalt  }
0x5b: {  	_ =	shalt  }
0x5c: {  	_ =	shalt  }
0x5d: {  	_ =	shalt  }
0x5e: {  	_ =	shalt  }
0x5f: {  	_ =	shalt  }
0x60: {  	_ =	shalt  }
0x61: {  	_ =	shalt  }
0x62: {  	_ =	shalt  }
0x63: {  	_ =	shalt  }
0x64: {  	_ =	shalt  }
0x65: {  	_ =	shalt  }
0x66: {  	_ =	shalt  }
0x67: {  	_ =	shalt  }
0x68: {  	_ =	shalt  }
0x69: {  	_ =	shalt  }
0x6a: {  	_ =	shalt  }
0x6b: {  	_ =	shalt  }
0x6c: {  	_ =	shalt  }
0x6d: {  	_ =	shalt  }
0x6e: {  	_ =	shalt  }
0x6f: {  	_ =	shalt  }
0x70: {  	_ =	shalt  }
0x71: {  	_ =	shalt  }
0x72: {  	_ =	shalt  }
0x73: {  	_ =	shalt  }
0x74: {  	_ =	shalt  }
0x75: {  	_ =	shalt  }
0x76: {  	_ =	shalt  }
0x77: {  	_ =	shalt  }
0x78: {  	_ =	shalt  }
0x79: {  	_ =	shalt  }
0x7a: {  	_ =	shalt  }
0x7b: {  	_ =	shalt  }
0x7c: {  	_ =	shalt  }
0x7d: {  	_ =	shalt  }
0x7e: {  	_ =	shalt  }
0x7f: {  	_ =	shalt  }
0x80: {  	_ =	shalt  }
0x81: {  	_ =	shalt  }
0x82: {  	_ =	shalt  }
0x83: {  	_ =	shalt  }
0x84: {  	_ =	shalt  }
0x85: {  	_ =	shalt  }
0x86: {  	_ =	shalt  }
0x87: {  	_ =	shalt  }
.Lfunc_end0:
.L_simem_size_0:
called_computation_lowered:
.L_overlay_start_0:
0x88: {  	s2 =	sld [smem:$0x3FD9]  }
0x89: {  	s3 =	sld [smem:$0x3FFE];
	_ =	sdelay $0x1  }
0x8a: {  	s1 =	srdreg.scid  }
0x8b: {  	s0 =	sand.u32 $0x1, s1  }
0x8c: {  	s17 =	sshll.u32 s0, $0xA;
	s2 =	sadd.s32 s3, s2  }
0x8d: {  	s2 =	sadd.s32 s2, s17  }
0x8e: {  	[smem:$0x3FC3] =	sst s2  }
0x8f: {  	_ = 	snop  }
0x90: {  	s2 =	sld [smem:$0x3FD0];
	(tm) =	ssettm $0x1  }
0x91: {  	s18 =	sld [smem:$0x3FFB];
	_ =	sdelay $0x3  }
0x92: {  	_ =	strace s18  }
0x93: {  	s3 =	sld [smem:$0x3FFC];
	_ =	sdelay $0x3  }
0x94: {  	_ =	strace s3  }
0x95: {  	s3 =	sld [smem:$0x3FFD];
	_ =	sdelay $0x3  }
0x96: {  	_ =	strace s3  }
0x97: {  	_ =	strace $0x8FFFFFFF  }
0x98: {  	s19 =	sld [smem:$0x3FDB];
	_ =	sdelay $0x1  }
0x99: {  	s4 =	simm.s32 $_scs_section_size  }
0x9a: {  	s5 =	simm.s32 $_size__tile_overlayer_lowered;
	s6 =	simm.s32 $_tile_overlayer_lowered  }
0x9b: {  	s22 =	simm.s32 $0x1BFF;
	s21 =	sshll.u32 s6, $0x1;
	s3 =	sadd.s32 s4, s19  }
0x9c: {  	s7 =	simm.s32 $0x0;
	s20 =	sshll.u32 s5, $0x1;
	s5 =	sadd.s32 s21, s3  }
0x9d: {  	[timem:s7], [sflag:s22] =	dma.local [hbm:s5], s20  }
0x9e: {  	_ =	swait.ge [sflag:s22], s20  }
0x9f: {  	s4 =	ssub.s32 $0x0, s20;
	[sflag:s22] =	ssyncset.done $0x0  }
0xa0: {  	[sflag:s22] =	ssyncadd.s32 s4;
	_ =	sdelay $0x1  }
0xa1: {  	s23 =	simm.s32 $0x1B8B  }
0xa2: {  	_ =	swait.ge [sflag:s23], $0x1  }
0xa3: {  	[sflag:s23] =	ssyncset.done $0x0  }
0xa4: {  	s25 =	simm.s32 $0x1B8E;
	s24 =	sld [smem:$0x3FFE];
	[sflag:s23] =	ssyncadd.s32 $0xFFFFFFFF  }
0xa5: {  	s26 =	simm.s32 $execute0_lowered;
	[smem:$0x3FD2] =	sst s25  }
0xa6: {  	s5 =	sshll.u32 s26, $0x1;
	_ =	strace $0x80000046;
	[dreg:$0x1] =	wrdreg $0xFFFFFFFF  }
0xa7: {  	s28 =	simm.s32 $_size_execute0_lowered;
	s3 =	sadd.s32 s3, s5;
	[dreg:$0x0] =	wrdreg $0x0  }
0xa8: {  	s5 =	sshll.u32 s28, $0x1;
	[dreg:$0x2] =	wrdreg s3  }
0xa9: {  	[dreg:$0x3] =	wrdreg s5  }
0xaa: {  	[dreg:$0x4] =	wrdreg $0xC0  }
0xab: {  	_ =	task [dreg:s7], $0x5FFFF  }
0xac: {  	[dreg:$0x1] =	wrdreg $0xFFFFFFFF  }
0xad: {  	[dreg:$0x0] =	wrdreg $0x60  }
0xae: {  	[dreg:$0x2] =	wrdreg s24  }
0xaf: {  	[dreg:$0x3] =	wrdreg s2  }
0xb0: {  	[dreg:$0x4] =	wrdreg $0x9  }
0xb1: {  	_ =	task.clear_ibuf [dreg:s7], $0x5FFFF;
	_ =	strace $0x90000046  }
0xb2: {  	s29 =	simm.s32 $0x9;
	_ =	strace $0x80000048  }
0xb3: {  	_ =	swait.ge [sflag:s29], $0x1  }
0xb4: {  	[sflag:s29] =	ssyncadd.s32 $0xFFFFFFFF  }
0xb5: {  	_ =	strace $0x90000048  }
0xb6: {  	_ =	sfence  }
0xb7: {  	s30 =	sld [smem:$0x0];
	_ =	sdelay $0x2  }
0xb8: {  	s31 =	sshll.u32 s1, $0xD;
	s1 =	sshrl.u32 s1, $0x2  }
0xb9: {  	s3 =	sand.u32 $0x4000, s31;
	s1 =	sadd.s32 s1, s30  }
0xba: {  	s0 =	sor.u32 s3, s0;
	s1 =	sshll.u32 s1, $0x11  }
0xbb: {  	s0 =	sor.u32 s1, s0  }
0xbc: {  	s0 =	sadd.s32 $0x8F2B, s0  }
0xbd: {  	[sflag:s0] =	ssyncadd.remote.s32 $0x1  }
0xbe: {  	_ =	sfence.sel $0xFFFF  }
0xbf: {  	[dreg:$0x0] =	wrdreg $0xFFFFFFFF;
	(pc) =	sbr.abs _section_cstart, $3  }
0xc0: {  	[dreg:$0x1] =	wrdreg $0xFFFFFFFF  }
0xc1: {  	_ =	task.clear_ibuf [dreg:s7], $0x2FFFF;
	_ =	strace $0x9FFFFFFF  }
0xc2: {  	(tm) =	ssettm $0x7FFFFFFF  }
0xc3: {  	_ =	shalt  }
tec
execute0_lowered:
.L_overlay_start_1:
0x0: {  	(tag) =	ssettag $0x1  }
0x1: {  	s1 =	srdreg.scid  }
0x2: {  	s0 =	stileid.u32;
	s3 =	rddreg [dreg:$0x0]  }
0x3: {  	s7 =	rddreg [dreg:$0x1];
	s2 =	simm.s32 $0x0;
	s11 =	simm.s32 $0xA400  }
0x4: {  	s12 =	simm.s32 $0x100;
	s13 =	simm.s32 $0xE400;
	s14 =	simm.s32 $0x1  }
0x5: {  	s15 =	simm.s32 $0x180;
	s16 =	simm.s32 $0x12400;
	s17 =	simm.s32 $0x8  }
0x6: {  	s18 =	simm.s32 $0x0;
	s4 =	sand.u32 $0x1, s1;
	s1 =	rddreg [dreg:$0x2]  }
0x7: {  	s30 =	sshll.u32 s0, $0x1;
	[smem:$0x7FF] =	sst s2;
	s8 =	smul.u32 $0x640000, s0  }
0x8: {  	s5 =	sor.u32 s4, s30;
	s9 =	ssub.s32 $0x2, s4;
	s4 =	smul.u32 $0x320000, s4  }
0x9: {  	_ =	strace $0x80000047;
	s6 =	smul.u32 $0xC80, s5;
	s10 =	sshrl.u32 s9, $0x1  }
0xa: {  	s5 =	smul.u32 $0x320000, s5;
	s9 =	ssub.s32 s9, s10;
	s8 =	sadd.s32 s4, s8  }
0xb: {  	s10 =	simm.s32 $0x6400;
	s6 =	sadd.s32 s6, s3;
	s3 =	sadd.s32 $0x19800, s3  }
0xc: {  	s31 =	sshrl.u32 s5, $0x3;
	s8 =	sor.u32 $0x4000, s8;
	s5 =	smax.u32 s9, $0x1  }
0xd: {  	s9 =	simm.s32 $0x80;
	s4 =	sadd.s32 $0x800, s6;
	s8 =	sshrl.u32 s8, $0x3  }
0xe: {  	s6 =	sadd.s32 s7, s31;
	s7 =	sadd.s32 s8, s7;
	s8 =	simm.s32 $0x9  }
.LBB2_1:
0xf: {  	[tilespmem:s2], [sflag:$0x9] =	stream.linear.gather [hbm4b:s4+s2], $0x6400, $0x38;
	[tilespmem:$0x16400] =	vst v63  }
0x10: {  	_ =	swait.ge [sflag:s8], $0x6400  }
0x11: {  	[sflag:s8] =	ssyncset.done $0x0  }
0x12: {  	[sflag:s8] =	ssyncadd.s32 $0xFFFF9C00  }
0x13: {  	[tilespmem:s10], [sflag:$0x1] =	stream.indirect.gather [hbm4b:s3+s9], $0x80, s2, s9, $0xb8;
	[tilespmem:$0x16400] =	vst v63  }
0x14: {  	_ = 	snop  }
0x15: {  	[tilespmem:s11], [sflag:$0x2] =	stream.indirect.gather [hbm4b:s3+s9], $0x80, s9, s9, $0xb8;
	[tilespmem:$0x16400] =	vst v63  }
0x16: {  	_ = 	snop  }
0x17: {  	[tilespmem:s13], [sflag:$0x3] =	stream.indirect.gather [hbm4b:s3+s9], $0x80, s12, s9, $0xb8;
	[tilespmem:$0x16400] =	vst v63  }
0x18: {  	_ =	swait.ge [sflag:s14], $0x4000  }
0x19: {  	s19 =	simm.s32 $0x1;
	[sflag:s14] =	ssyncset.done $0x0  }
0x1a: {  	s21 =	simm.s32 $0x4;
	s22 =	sand.u32 $0x3, s19;
	[sflag:s14] =	ssyncadd.s32 $0xFFFFC000  }
0x1b: {  	[hbm4b:s6+s2] =	stream.linear.scatter [tilespmem:s10], [sflag:$0x5], $0x4000, $0x38;
	[tilespmem:$0x16400] =	vst v63  }
0x1c: {  	s20 =	simm.s32 $0x200;
	p0 =	por $0x0, $0x0;
	s23 =	sadd.s32 $0x1, s22  }
0x1d: {  	[tilespmem:s16], [sflag:$0x4] =	stream.indirect.gather [hbm4b:s3+s9], $0x80, s15, s9, $0xb8;
	[tilespmem:$0x16400] =	vst v63  }
0x1e: {  	s19 =	simm.s32 $0x5;
	s21 =	sand.u32 $0x3, s21;
	_ =	swait.ge [sflag:s23], $0x4000  }
0x1f: {  	s24 =	sshll.u32 s22, $0xE;
	s22 =	sadd.s32 $0x5, s22;
	[sflag:s23] =	ssyncset.done $0x0  }
0x20: {  	s25 =	sadd.s32 $0x5, s21;
	s24 =	sadd.s32 $0x6400, s24;
	[sflag:s23] =	ssyncadd.s32 $0xFFFFC000  }
0x21: {  	[hbm4b:s7+s2] =	stream.linear.scatter [tilespmem:s24], [sflag:s22], $0x4000, $0x38;
	[tilespmem:$0x16400] =	vst v63  }
0x22: {  	s23 =	sadd.s32 @!p0 $0x1, s21;
	s24 =	sshll.u32 @!p0 s21, $0xE;
	_ =	swait.ge [sflag:s25], $0x4000  }
0x23: {  	s21 =	sadd.s32 $0x800, s7;
	s22 =	simm.s32 $0x280;
	[sflag:s25] =	ssyncset.done $0x0  }
0x24: {  	s24 =	sadd.s32 @!p0 $0x6400, s24;
	[sflag:s25] =	ssyncadd.s32 $0xFFFFC000;
	s25 =	simm.s32 @!p0 $0x80  }
.LBB2_2:
0x25: {  	[tilespmem:s24], [sflag:s23] =	stream.indirect.gather @!p0 [hbm4b:s3+s25], $0x80, s20, s25, $0xb8;
	[tilespmem:$0x16400] =	vst v63  }
0x26: {  	s23 =	sadd.s32 $0xFFFFFFFD, s19;
	s24 =	smov.u32 s19;
	s19 =	sadd.s32 $0x1, s19  }
0x27: {  	s20 =	smov.u32 s22;
	s25 =	sand.u32 $0x3, s23;
	p1 =	sne.s32 s19, $0xCB  }
0x28: {  	s26 =	sadd.s32 $0x1, s25;
	s28 =	sshll.u32 s25, $0xE  }
0x29: {  	p0 =	sgt.u32 s23, $0xC4;
	s24 =	sand.u32 $0x3, s24;
	_ =	swait.ge [sflag:s26], $0x4000  }
0x2a: {  	s25 =	sadd.s32 $0x5, s25;
	s23 =	sadd.s32 $0x6400, s28;
	[sflag:s26] =	ssyncset.done $0x0  }
.Ltmp0:
0x2b: {  	[sflag:s26] =	ssyncadd.s32 $0xFFFFC000;
	s26 =	sadd.s32 $0x5, s24;
	(pc) =	sbr.rel @p1 .LBB2_2-.Ltmp0, $4  }
0x2c: {  	[hbm4b:s21+s2] =	stream.linear.scatter [tilespmem:s23], [sflag:s25], $0x4000, $0x38;
	[tilespmem:$0x16400] =	vst v63  }
0x2d: {  	s25 =	sshll.u32 @!p0 s24, $0xE;
	s23 =	sadd.s32 @!p0 $0x1, s24;
	_ =	swait.ge [sflag:s26], $0x4000  }
0x2e: {  	s22 =	sadd.s32 $0x80, s22;
	s21 =	sadd.s32 $0x800, s21;
	[sflag:s26] =	ssyncset.done $0x0  }
0x2f: {  	s24 =	sadd.s32 @!p0 $0x6400, s25;
	s25 =	simm.s32 @!p0 $0x80;
	[sflag:s26] =	ssyncadd.s32 $0xFFFFC000  }
0x30: {  	[tilespmem:s24], [sflag:s23] =	stream.indirect.gather @!p0 [hbm4b:s3+s25], $0x80, s20, s25, $0xb8;
	[tilespmem:$0x16400] =	vst v63  }
0x31: {  	s18 =	sadd.s32 $0x1, s18  }
0x32: {  	p0 =	sne.s32 s18, s5  }
.Ltmp1:
0x33: {  	_ = 	snop;
	(pc) =	sbr.rel @p0 .LBB2_1-.Ltmp1, $4  }
0x34: {  	_ = 	snop  }
0x35: {  	_ =	swait.ge [sflag:s17], $0x4000  }
0x36: {  	[sflag:s17] =	ssyncset.done $0x0  }
0x37: {  	[sflag:s17] =	ssyncadd.s32 $0xFFFFC000  }
0x38: {  	_ =	sfence.sel $0x180000  }
0x39: {  	[bflag:$0x0] =	sbarrier.arrive $0xFFFF  }
0x3a: {  	p0 =	sne.s32 s0, $0x0;
	_ =	strace $0x90000047  }
0x3b: {  	s0 =	sadd.s32 @!p0 $0x100000, s1;
	[bflag:$0x2] =	sbarrier.arrive $0xFFFF  }
0x3c: {  	[sflag:s0] =	ssyncadd.tile.s32 @!p0 $0x1;
	_ =	shalt  }
.Lfunc_end2:
_tile_overlayer_lowered:
.L_overlay_start_2:
0x3d: {  	(tag) =	ssettag $0x2  }
0x3e: {  	s0 =	rddreg [dreg:$0x0];
	s2 =	stileid.u32  }
0x3f: {  	s1 =	rddreg [dreg:$0x1];
	p0 =	sne.s32 s2, $0x0  }
0x40: {  	s3 =	rddreg [dreg:$0x2];
	[bflag:$0x3] =	sbarrier.arrive $0xFFFF;
	s2 =	simm.s32 @!p0 $0x1C09  }
0x41: {  	[timem:s3], [sflag:s2] =	dma.local @!p0 [hbm:s0], s1  }
0x42: {  	s0 =	simm.s32 @!p0 $0x9  }
0x43: {  	_ =	swait.ge @!p0 [sflag:s0], s1  }
0x44: {  	s1 =	ssub.s32 @!p0 $0x0, s1;
	[sflag:s0] =	ssyncset.done @!p0 $0x0  }
0x45: {  	[sflag:s0] =	ssyncadd.s32 @!p0 s1  }
0x46: {  	[bflag:$0x3] =	sbarrier.arrive $0xFFFF  }
0x47: {  	_ =	shalt  }

</sc_bundles>
